<compile_context>
chip_gen: v7x
topology: tpu7x:2x2x1
jax: 0.10.2.dev20260603
libtpu: 0.0.44.dev20260713+nightly
codegen_flags: <defaults>
</compile_context>

<pallas_src>
import functools

import jax
import jax.numpy as jnp
from jax import lax
from jax.experimental import pallas as pl
from jax.experimental.pallas import tpu as pltpu
from jax.experimental.pallas import tpu_sc as plsc

_N = 1000
_B = 16384
_NC = 2
_NS = 16
_NW = _NC * _NS
_BPW = _B // _NW
_ROWS = _BPW // 128


def _tab_body(wa_ref, wba_ref, idx_ref, wpc_ref, f_ref):
    idx = idx_ref[...]
    f_col = idx[:, 0:1] * 1024 + idx[:, 1:2]
    f_ref[...] = f_col.reshape(128, 128)
    wa = wa_ref[...]
    m_a = jnp.max(wa)
    s_a = jnp.sum(jnp.exp(wa - m_a))
    lse_a = jnp.log(s_a) + m_a
    wba = wba_ref[...]
    m_b = jnp.max(wba, axis=1, keepdims=True)
    s_b = jnp.sum(jnp.exp(wba - m_b), axis=1, keepdims=True)
    lse_b = jnp.log(s_b) + m_b
    g_col = wa.reshape(_N, 1) - (lse_b + lse_a)
    for k in range(7):
        wpc_ref[:, k, :] = wba[:, k * 128:(k + 1) * 128] + g_col
    wpc_ref[:, 7, : _N - 7 * 128] = wba[:, 7 * 128:] + g_col


def _sc_body(wpc_hbm, f_hbm, out_hbm, f_v, wv, sem):
    wid = lax.axis_index("s") * _NC + lax.axis_index("c")
    base = wid * _BPW
    pltpu.sync_copy(f_hbm.at[pl.ds(base, _BPW)], f_v)
    copies = []
    for r in range(_ROWS):
        copies.append(
            pltpu.async_copy(wpc_hbm.at[f_v.at[pl.ds(r * 128, 128)]],
                             wv.at[pl.ds(r * 128, 128)], sem))
    for cp in copies:
        cp.wait()
    pltpu.sync_copy(wv, out_hbm.at[pl.ds(base, _BPW)])


@functools.cache
def _sc_gather():
  return pl.kernel(
    _sc_body,
    out_type=jax.ShapeDtypeStruct((_B,), jnp.float32),
    mesh=plsc.VectorSubcoreMesh(core_axis_name="c", subcore_axis_name="s",
                                num_cores=_NC, num_subcores=_NS),
    scratch_types=[
        pltpu.VMEM((_BPW,), jnp.int32),
        pltpu.VMEM((_BPW,), jnp.float32),
        pltpu.SemaphoreType.DMA,
    ],
  )


def kernel(inputs, w_A, w_BA):
    idx = inputs.astype(jnp.int32)
    wpc, f2d = pl.pallas_call(
        _tab_body,
        out_shape=(
            jax.ShapeDtypeStruct((_N, 8, 128), jnp.float32),
            jax.ShapeDtypeStruct((128, 128), jnp.int32),
        ),
    )(w_A, w_BA, idx)
    return _sc_gather()(wpc.reshape(-1), f2d.reshape(-1))

# --- scband reference (transcript-rebuilt; emitter-appended) ---
"""Pipeline reference for scband-model-causal-76390288327703 (READ-ONLY COPY).

The authoritative reference and input builder live on the scoring server;
editing this copy changes nothing except your own understanding.
"""

import jax, jax.numpy as jnp
import numpy as np

N = 1000
B = 16384

def setup_inputs(seed: int = 0) -> dict:
    key = jax.random.key(seed)
    k1, k2, k3 = jax.random.split(key, 3)
    inputs = jax.random.randint(k1, (B, 2), 0, N, dtype=jnp.int64)
    # learned parameters: marginal log-weights w_A [N], conditional log-weights w_BA [N, N]
    w_A = jax.random.normal(k2, (N,), dtype=jnp.float32) * 0.1
    w_BA = jax.random.normal(k3, (N, N), dtype=jnp.float32) * 0.1
    return {"inputs": inputs, "w_A": w_A, "w_BA": w_BA}

def reference(inputs, w_A, w_BA):
    # inputs: int64[B, 2] -> split into A and B columns (each squeezed)
    idx_A = inputs[:, 0]
    idx_B = inputs[:, 1]
    # Marginal: p_A(inputs_A) = w[idx_A] - logsumexp(w)
    cste_A = jax.scipy.special.logsumexp(w_A, axis=0)
    log_p_A = jnp.take(w_A, idx_A, axis=0) - cste_A
    # Conditional: p_B_A(inputs_B, inputs_A) = w[idx_A, idx_B] - logsumexp(w[idx_A], dim=1)
    rows = jnp.take(w_BA, idx_A, axis=0)  # gather rows [B, N]
    cste_BA = jax.scipy.special.logsumexp(rows, axis=1)
    log_p_B_A = jnp.take_along_axis(rows, idx_B[:, None], axis=1)[:, 0] - cste_BA
    return log_p_A + log_p_B_A

if __name__ == "__main__":
    import jax
    _d = setup_inputs()
    print(jax.jit(kernel)(*tuple(_d.values())))

</pallas_src>

<mosaic_0001>
#map = affine_map<(d0, d1) -> (0)>
module attributes {stable_mosaic.version = 14 : i64} {
  func.func @_sc_body(%arg0: i32, %arg1: i32, %arg2: memref<1024000xf32, #tpu.memory_space<hbm>>, %arg3: memref<16384xi32, #tpu.memory_space<hbm>>, %arg4: memref<16384xf32, #tpu.memory_space<hbm>>, %arg5: memref<512xi32, #tpu.memory_space<vmem>>, %arg6: memref<512xf32, #tpu.memory_space<vmem>>, %arg7: memref<!tpu.dma_semaphore, #tpu.memory_space<semaphore_mem>>) attributes {dimension_semantics = [#tpu.dimension_semantics<core_parallel>, #tpu.dimension_semantics<subcore_parallel>], iteration_bounds = array<i64: 2, 16>, scalar_prefetch = 0 : i64, scratch_operands = 3 : i64, tpu.core_type = #tpu.core_type<sc_vector_subcore>, window_params = [{transform_indices = #map}, {transform_indices = #map}, {transform_indices = #map}]} {
    %mul3A = arith.constant 2 : i32
    %mul3A_0 = arith.muli %arg1, %mul3A : i32
    %add3A = arith.addi %mul3A_0, %arg0 : i32
    %mul3A_1 = arith.constant 512 : i32
    %mul3A_2 = arith.muli %add3A, %mul3A_1 : i32
    "tpu.region"() ({
      %run_scoped3A = tpu.sem_alloc : memref<!tpu.dma_semaphore, #tpu.memory_space<semaphore_mem>>
      %dma_start3A_49 = tpu.memref_slice %arg3[%mul3A_2] : memref<16384xi32, #tpu.memory_space<hbm>> -> memref<512xi32, #tpu.memory_space<hbm>>
      %dma_start3A_50 = tpu.memref_slice %arg3[%mul3A_2] : memref<16384xi32, #tpu.memory_space<hbm>> -> memref<512xi32, #tpu.memory_space<hbm>>
      tpu.enqueue_dma source(%dma_start3A_50 : memref<512xi32, #tpu.memory_space<hbm>>) target(%arg5 : memref<512xi32, #tpu.memory_space<vmem>>) target_semaphore(%run_scoped3A : memref<!tpu.dma_semaphore, #tpu.memory_space<semaphore_mem>>)
      %dma_wait3A_51 = tpu.memref_slice %arg3[%mul3A_2] : memref<16384xi32, #tpu.memory_space<hbm>> -> memref<512xi32, #tpu.memory_space<hbm>>
      %dma_wait3A_52 = tpu.memref_slice %arg3[%mul3A_2] : memref<16384xi32, #tpu.memory_space<hbm>> -> memref<512xi32, #tpu.memory_space<hbm>>
      tpu.wait_dma2 semaphore(%run_scoped3A : memref<!tpu.dma_semaphore, #tpu.memory_space<semaphore_mem>>) src(%dma_wait3A_52 : memref<512xi32, #tpu.memory_space<hbm>>) dst(%arg5 : memref<512xi32, #tpu.memory_space<vmem>>)
      tpu.yield
    }) : () -> ()
    %dma_start3A = arith.constant 0 : i32
    %dma_start3A_3 = tpu.memref_slice %arg6[%dma_start3A] : memref<512xf32, #tpu.memory_space<vmem>> -> memref<128xf32, #tpu.memory_space<vmem>>
    %dma_start3A_4 = arith.constant 0 : i32
    %dma_start3A_5 = tpu.memref_slice %arg5[%dma_start3A_4] : memref<512xi32, #tpu.memory_space<vmem>> -> memref<128xi32, #tpu.memory_space<vmem>>
    %dma_start3A_6 = arith.constant 0 : i32
    %dma_start3A_7 = tpu.memref_slice %arg2[%dma_start3A_6] : memref<1024000xf32, #tpu.memory_space<hbm>> -> memref<1024000xf32, #tpu.memory_space<hbm>>
    tpu.enqueue_indirect_dma source(%dma_start3A_7 : memref<1024000xf32, #tpu.memory_space<hbm>>) target(%dma_start3A_3 : memref<128xf32, #tpu.memory_space<vmem>>) offsets(%dma_start3A_5 : memref<128xi32, #tpu.memory_space<vmem>>) semaphore(%arg7 : memref<!tpu.dma_semaphore, #tpu.memory_space<semaphore_mem>>)
    %dma_start3A_8 = arith.constant 128 : i32
    %dma_start3A_9 = tpu.memref_slice %arg6[%dma_start3A_8] : memref<512xf32, #tpu.memory_space<vmem>> -> memref<128xf32, #tpu.memory_space<vmem>>
    %dma_start3A_10 = arith.constant 128 : i32
    %dma_start3A_11 = tpu.memref_slice %arg5[%dma_start3A_10] : memref<512xi32, #tpu.memory_space<vmem>> -> memref<128xi32, #tpu.memory_space<vmem>>
    %dma_start3A_12 = arith.constant 0 : i32
    %dma_start3A_13 = tpu.memref_slice %arg2[%dma_start3A_12] : memref<1024000xf32, #tpu.memory_space<hbm>> -> memref<1024000xf32, #tpu.memory_space<hbm>>
    tpu.enqueue_indirect_dma source(%dma_start3A_13 : memref<1024000xf32, #tpu.memory_space<hbm>>) target(%dma_start3A_9 : memref<128xf32, #tpu.memory_space<vmem>>) offsets(%dma_start3A_11 : memref<128xi32, #tpu.memory_space<vmem>>) semaphore(%arg7 : memref<!tpu.dma_semaphore, #tpu.memory_space<semaphore_mem>>)
    %dma_start3A_14 = arith.constant 256 : i32
    %dma_start3A_15 = tpu.memref_slice %arg6[%dma_start3A_14] : memref<512xf32, #tpu.memory_space<vmem>> -> memref<128xf32, #tpu.memory_space<vmem>>
    %dma_start3A_16 = arith.constant 256 : i32
    %dma_start3A_17 = tpu.memref_slice %arg5[%dma_start3A_16] : memref<512xi32, #tpu.memory_space<vmem>> -> memref<128xi32, #tpu.memory_space<vmem>>
    %dma_start3A_18 = arith.constant 0 : i32
    %dma_start3A_19 = tpu.memref_slice %arg2[%dma_start3A_18] : memref<1024000xf32, #tpu.memory_space<hbm>> -> memref<1024000xf32, #tpu.memory_space<hbm>>
    tpu.enqueue_indirect_dma source(%dma_start3A_19 : memref<1024000xf32, #tpu.memory_space<hbm>>) target(%dma_start3A_15 : memref<128xf32, #tpu.memory_space<vmem>>) offsets(%dma_start3A_17 : memref<128xi32, #tpu.memory_space<vmem>>) semaphore(%arg7 : memref<!tpu.dma_semaphore, #tpu.memory_space<semaphore_mem>>)
    %dma_start3A_20 = arith.constant 384 : i32
    %dma_start3A_21 = tpu.memref_slice %arg6[%dma_start3A_20] : memref<512xf32, #tpu.memory_space<vmem>> -> memref<128xf32, #tpu.memory_space<vmem>>
    %dma_start3A_22 = arith.constant 384 : i32
    %dma_start3A_23 = tpu.memref_slice %arg5[%dma_start3A_22] : memref<512xi32, #tpu.memory_space<vmem>> -> memref<128xi32, #tpu.memory_space<vmem>>
    %dma_start3A_24 = arith.constant 0 : i32
    %dma_start3A_25 = tpu.memref_slice %arg2[%dma_start3A_24] : memref<1024000xf32, #tpu.memory_space<hbm>> -> memref<1024000xf32, #tpu.memory_space<hbm>>
    tpu.enqueue_indirect_dma source(%dma_start3A_25 : memref<1024000xf32, #tpu.memory_space<hbm>>) target(%dma_start3A_21 : memref<128xf32, #tpu.memory_space<vmem>>) offsets(%dma_start3A_23 : memref<128xi32, #tpu.memory_space<vmem>>) semaphore(%arg7 : memref<!tpu.dma_semaphore, #tpu.memory_space<semaphore_mem>>)
    %dma_wait3A = arith.constant 0 : i32
    %dma_wait3A_26 = tpu.memref_slice %arg6[%dma_wait3A] : memref<512xf32, #tpu.memory_space<vmem>> -> memref<128xf32, #tpu.memory_space<vmem>>
    %dma_wait3A_27 = arith.constant 0 : i32
    %dma_wait3A_28 = tpu.memref_slice %arg5[%dma_wait3A_27] : memref<512xi32, #tpu.memory_space<vmem>> -> memref<128xi32, #tpu.memory_space<vmem>>
    %dma_wait3A_29 = arith.constant 0 : i32
    %dma_wait3A_30 = tpu.memref_slice %arg2[%dma_wait3A_29] : memref<1024000xf32, #tpu.memory_space<hbm>> -> memref<1024000xf32, #tpu.memory_space<hbm>>
    tpu.wait_indirect_dma semaphore(%arg7 : memref<!tpu.dma_semaphore, #tpu.memory_space<semaphore_mem>>) src(%dma_wait3A_30 : memref<1024000xf32, #tpu.memory_space<hbm>>) dst(%dma_wait3A_26 : memref<128xf32, #tpu.memory_space<vmem>>)
    %dma_wait3A_31 = arith.constant 128 : i32
    %dma_wait3A_32 = tpu.memref_slice %arg6[%dma_wait3A_31] : memref<512xf32, #tpu.memory_space<vmem>> -> memref<128xf32, #tpu.memory_space<vmem>>
    %dma_wait3A_33 = arith.constant 128 : i32
    %dma_wait3A_34 = tpu.memref_slice %arg5[%dma_wait3A_33] : memref<512xi32, #tpu.memory_space<vmem>> -> memref<128xi32, #tpu.memory_space<vmem>>
    %dma_wait3A_35 = arith.constant 0 : i32
    %dma_wait3A_36 = tpu.memref_slice %arg2[%dma_wait3A_35] : memref<1024000xf32, #tpu.memory_space<hbm>> -> memref<1024000xf32, #tpu.memory_space<hbm>>
    tpu.wait_indirect_dma semaphore(%arg7 : memref<!tpu.dma_semaphore, #tpu.memory_space<semaphore_mem>>) src(%dma_wait3A_36 : memref<1024000xf32, #tpu.memory_space<hbm>>) dst(%dma_wait3A_32 : memref<128xf32, #tpu.memory_space<vmem>>)
    %dma_wait3A_37 = arith.constant 256 : i32
    %dma_wait3A_38 = tpu.memref_slice %arg6[%dma_wait3A_37] : memref<512xf32, #tpu.memory_space<vmem>> -> memref<128xf32, #tpu.memory_space<vmem>>
    %dma_wait3A_39 = arith.constant 256 : i32
    %dma_wait3A_40 = tpu.memref_slice %arg5[%dma_wait3A_39] : memref<512xi32, #tpu.memory_space<vmem>> -> memref<128xi32, #tpu.memory_space<vmem>>
    %dma_wait3A_41 = arith.constant 0 : i32
    %dma_wait3A_42 = tpu.memref_slice %arg2[%dma_wait3A_41] : memref<1024000xf32, #tpu.memory_space<hbm>> -> memref<1024000xf32, #tpu.memory_space<hbm>>
    tpu.wait_indirect_dma semaphore(%arg7 : memref<!tpu.dma_semaphore, #tpu.memory_space<semaphore_mem>>) src(%dma_wait3A_42 : memref<1024000xf32, #tpu.memory_space<hbm>>) dst(%dma_wait3A_38 : memref<128xf32, #tpu.memory_space<vmem>>)
    %dma_wait3A_43 = arith.constant 384 : i32
    %dma_wait3A_44 = tpu.memref_slice %arg6[%dma_wait3A_43] : memref<512xf32, #tpu.memory_space<vmem>> -> memref<128xf32, #tpu.memory_space<vmem>>
    %dma_wait3A_45 = arith.constant 384 : i32
    %dma_wait3A_46 = tpu.memref_slice %arg5[%dma_wait3A_45] : memref<512xi32, #tpu.memory_space<vmem>> -> memref<128xi32, #tpu.memory_space<vmem>>
    %dma_wait3A_47 = arith.constant 0 : i32
    %dma_wait3A_48 = tpu.memref_slice %arg2[%dma_wait3A_47] : memref<1024000xf32, #tpu.memory_space<hbm>> -> memref<1024000xf32, #tpu.memory_space<hbm>>
    tpu.wait_indirect_dma semaphore(%arg7 : memref<!tpu.dma_semaphore, #tpu.memory_space<semaphore_mem>>) src(%dma_wait3A_48 : memref<1024000xf32, #tpu.memory_space<hbm>>) dst(%dma_wait3A_44 : memref<128xf32, #tpu.memory_space<vmem>>)
    "tpu.region"() ({
      %run_scoped3A = tpu.sem_alloc : memref<!tpu.dma_semaphore, #tpu.memory_space<semaphore_mem>>
      %dma_start3A_49 = tpu.memref_slice %arg4[%mul3A_2] : memref<16384xf32, #tpu.memory_space<hbm>> -> memref<512xf32, #tpu.memory_space<hbm>>
      %dma_start3A_50 = tpu.memref_slice %arg4[%mul3A_2] : memref<16384xf32, #tpu.memory_space<hbm>> -> memref<512xf32, #tpu.memory_space<hbm>>
      tpu.enqueue_dma source(%arg6 : memref<512xf32, #tpu.memory_space<vmem>>) target(%dma_start3A_50 : memref<512xf32, #tpu.memory_space<hbm>>) target_semaphore(%run_scoped3A : memref<!tpu.dma_semaphore, #tpu.memory_space<semaphore_mem>>)
      %dma_wait3A_51 = tpu.memref_slice %arg4[%mul3A_2] : memref<16384xf32, #tpu.memory_space<hbm>> -> memref<512xf32, #tpu.memory_space<hbm>>
      %dma_wait3A_52 = tpu.memref_slice %arg4[%mul3A_2] : memref<16384xf32, #tpu.memory_space<hbm>> -> memref<512xf32, #tpu.memory_space<hbm>>
      tpu.wait_dma2 semaphore(%run_scoped3A : memref<!tpu.dma_semaphore, #tpu.memory_space<semaphore_mem>>) src(%arg6 : memref<512xf32, #tpu.memory_space<vmem>>) dst(%dma_wait3A_52 : memref<512xf32, #tpu.memory_space<hbm>>)
      tpu.yield
    }) : () -> ()
    return
  }
}

module attributes {stable_mosaic.version = 14 : i64} {
  func.func @_tab_body(%arg0: memref<1000xf32, #tpu.memory_space<vmem>>, %arg1: memref<1000x1000xf32, #tpu.memory_space<vmem>>, %arg2: memref<16384x2xi32, #tpu.memory_space<vmem>>, %arg3: memref<1000x8x128xf32, #tpu.memory_space<vmem>>, %arg4: memref<128x128xi32, #tpu.memory_space<vmem>>) attributes {dimension_semantics = [], scalar_prefetch = 0 : i64, scratch_operands = 0 : i64, tpu.core_type = #tpu.core_type<tc>} {
    %get3A = arith.constant 0 : index
    %get3A_0 = arith.constant 0 : index
    %get3A_1 = vector.load %arg2[%get3A, %get3A_0] : memref<16384x2xi32, #tpu.memory_space<vmem>>, vector<16384x2xi32>
    %slice3A = vector.extract_strided_slice %get3A_1 {offsets = [0, 0], sizes = [16384, 1], strides = [1, 1]} : vector<16384x2xi32> to vector<16384x1xi32>
    %mul3A = arith.constant 1024 : i32
    %mul3A_2 = vector.broadcast %mul3A : i32 to vector<16384x1xi32>
    %mul3A_3 = arith.muli %slice3A, %mul3A_2 : vector<16384x1xi32>
    %slice3A_4 = vector.extract_strided_slice %get3A_1 {offsets = [0, 1], sizes = [16384, 1], strides = [1, 1]} : vector<16384x2xi32> to vector<16384x1xi32>
    %add3A = arith.addi %mul3A_3, %slice3A_4 : vector<16384x1xi32>
    %reshape3A = vector.shape_cast %add3A : vector<16384x1xi32> to vector<128x128xi32>
    %swap3A = arith.constant 0 : index
    %swap3A_5 = arith.constant 0 : index
    %swap3A_6 = vector.load %arg4[%swap3A, %swap3A_5] : memref<128x128xi32, #tpu.memory_space<vmem>>, vector<128x128xi32>
    tpu.vector_store %arg4[%swap3A, %swap3A_5], %reshape3A {strides = array<i32>} : memref<128x128xi32, #tpu.memory_space<vmem>>, vector<128x128xi32>,
    %get3A_7 = arith.constant 0 : index
    %get3A_8 = vector.load %arg0[%get3A_7] : memref<1000xf32, #tpu.memory_space<vmem>>, vector<1000xf32>
    %reduce_max3A = vector.shape_cast %get3A_8 : vector<1000xf32> to vector<1x1000xf32>
    %reduce_max3A_9 = arith.constant dense<0xFF800000> : vector<1xf32>
    %reduce_max3A_10 = vector.multi_reduction <maximumf>, %reduce_max3A, %reduce_max3A_9 [1] : vector<1x1000xf32> to vector<1xf32>
    %reduce_max3A_11 = vector.shape_cast %reduce_max3A_10 : vector<1xf32> to vector<1x1xf32>
    %reduce_max3A_12 = vector.extract %reduce_max3A_11[0, 0] : f32 from vector<1x1xf32>
    %sub3A = vector.broadcast %reduce_max3A_12 : f32 to vector<1000xf32>
    %sub3A_13 = arith.subf %get3A_8, %sub3A : vector<1000xf32>
    %exp3A = math.exp %sub3A_13 : vector<1000xf32>
    %reduce_sum3A = vector.shape_cast %exp3A : vector<1000xf32> to vector<1x1000xf32>
    %reduce_sum3A_14 = arith.constant dense<0.000000e+00> : vector<1xf32>
    %reduce_sum3A_15 = vector.multi_reduction <add>, %reduce_sum3A, %reduce_sum3A_14 [1] : vector<1x1000xf32> to vector<1xf32>
    %reduce_sum3A_16 = vector.shape_cast %reduce_sum3A_15 : vector<1xf32> to vector<1x1xf32>
    %reduce_sum3A_17 = vector.extract %reduce_sum3A_16[0, 0] : f32 from vector<1x1xf32>
    %log3A = math.log %reduce_sum3A_17 : f32
    %add3A_18 = arith.addf %log3A, %reduce_max3A_12 : f32
    %get3A_19 = arith.constant 0 : index
    %get3A_20 = arith.constant 0 : index
    %get3A_21 = vector.load %arg1[%get3A_19, %get3A_20] : memref<1000x1000xf32, #tpu.memory_space<vmem>>, vector<1000x1000xf32>
    %reduce_max3A_22 = arith.constant dense<0xFF800000> : vector<1000xf32>
    %reduce_max3A_23 = vector.multi_reduction <maximumf>, %get3A_21, %reduce_max3A_22 [1] : vector<1000x1000xf32> to vector<1000xf32>
    %broadcast_in_dim3A = vector.shape_cast %reduce_max3A_23 : vector<1000xf32> to vector<1000x1xf32>
    %sub3A_24 = vector.broadcast %broadcast_in_dim3A : vector<1000x1xf32> to vector<1000x1000xf32>
    %sub3A_25 = arith.subf %get3A_21, %sub3A_24 : vector<1000x1000xf32>
    %exp3A_26 = math.exp %sub3A_25 : vector<1000x1000xf32>
    %reduce_sum3A_27 = arith.constant dense<0.000000e+00> : vector<1000xf32>
    %reduce_sum3A_28 = vector.multi_reduction <add>, %exp3A_26, %reduce_sum3A_27 [1] : vector<1000x1000xf32> to vector<1000xf32>
    %broadcast_in_dim3A_29 = vector.shape_cast %reduce_sum3A_28 : vector<1000xf32> to vector<1000x1xf32>
    %log3A_30 = math.log %broadcast_in_dim3A_29 : vector<1000x1xf32>
    %add3A_31 = arith.addf %log3A_30, %broadcast_in_dim3A : vector<1000x1xf32>
    %reshape3A_32 = vector.shape_cast %get3A_8 : vector<1000xf32> to vector<1000x1xf32>
    %add3A_33 = vector.broadcast %add3A_18 : f32 to vector<1000x1xf32>
    %add3A_34 = arith.addf %add3A_31, %add3A_33 : vector<1000x1xf32>
    %sub3A_35 = arith.subf %reshape3A_32, %add3A_34 : vector<1000x1xf32>
    %slice3A_36 = vector.extract_strided_slice %get3A_21 {offsets = [0, 0], sizes = [1000, 128], strides = [1, 1]} : vector<1000x1000xf32> to vector<1000x128xf32>
    %add3A_37 = vector.broadcast %sub3A_35 : vector<1000x1xf32> to vector<1000x128xf32>
    %add3A_38 = arith.addf %slice3A_36, %add3A_37 : vector<1000x128xf32>
    %swap3A_39 = arith.constant 0 : index
    %swap3A_40 = arith.constant 0 : index
    %swap3A_41 = arith.constant 0 : index
    %swap3A_42 = vector.load %arg3[%swap3A_39, %swap3A_40, %swap3A_41] : memref<1000x8x128xf32, #tpu.memory_space<vmem>>, vector<1000x1x128xf32>
    %swap3A_43 = vector.shape_cast %swap3A_42 : vector<1000x1x128xf32> to vector<1000x128xf32>
    %swap3A_44 = vector.shape_cast %add3A_38 : vector<1000x128xf32> to vector<1000x1x128xf32>
    tpu.vector_store %arg3[%swap3A_39, %swap3A_40, %swap3A_41], %swap3A_44 {strides = array<i32>} : memref<1000x8x128xf32, #tpu.memory_space<vmem>>, vector<1000x1x128xf32>,
    %slice3A_45 = vector.extract_strided_slice %get3A_21 {offsets = [0, 128], sizes = [1000, 128], strides = [1, 1]} : vector<1000x1000xf32> to vector<1000x128xf32>
    %add3A_46 = vector.broadcast %sub3A_35 : vector<1000x1xf32> to vector<1000x128xf32>
    %add3A_47 = arith.addf %slice3A_45, %add3A_46 : vector<1000x128xf32>
    %swap3A_48 = arith.constant 0 : index
    %swap3A_49 = arith.constant 1 : index
    %swap3A_50 = arith.constant 0 : index
    %swap3A_51 = vector.load %arg3[%swap3A_48, %swap3A_49, %swap3A_50] : memref<1000x8x128xf32, #tpu.memory_space<vmem>>, vector<1000x1x128xf32>
    %swap3A_52 = vector.shape_cast %swap3A_51 : vector<1000x1x128xf32> to vector<1000x128xf32>
    %swap3A_53 = vector.shape_cast %add3A_47 : vector<1000x128xf32> to vector<1000x1x128xf32>
    tpu.vector_store %arg3[%swap3A_48, %swap3A_49, %swap3A_50], %swap3A_53 {strides = array<i32>} : memref<1000x8x128xf32, #tpu.memory_space<vmem>>, vector<1000x1x128xf32>,
    %slice3A_54 = vector.extract_strided_slice %get3A_21 {offsets = [0, 256], sizes = [1000, 128], strides = [1, 1]} : vector<1000x1000xf32> to vector<1000x128xf32>
    %add3A_55 = vector.broadcast %sub3A_35 : vector<1000x1xf32> to vector<1000x128xf32>
    %add3A_56 = arith.addf %slice3A_54, %add3A_55 : vector<1000x128xf32>
    %swap3A_57 = arith.constant 0 : index
    %swap3A_58 = arith.constant 2 : index
    %swap3A_59 = arith.constant 0 : index
    %swap3A_60 = vector.load %arg3[%swap3A_57, %swap3A_58, %swap3A_59] : memref<1000x8x128xf32, #tpu.memory_space<vmem>>, vector<1000x1x128xf32>
    %swap3A_61 = vector.shape_cast %swap3A_60 : vector<1000x1x128xf32> to vector<1000x128xf32>
    %swap3A_62 = vector.shape_cast %add3A_56 : vector<1000x128xf32> to vector<1000x1x128xf32>
    tpu.vector_store %arg3[%swap3A_57, %swap3A_58, %swap3A_59], %swap3A_62 {strides = array<i32>} : memref<1000x8x128xf32, #tpu.memory_space<vmem>>, vector<1000x1x128xf32>,
    %slice3A_63 = vector.extract_strided_slice %get3A_21 {offsets = [0, 384], sizes = [1000, 128], strides = [1, 1]} : vector<1000x1000xf32> to vector<1000x128xf32>
    %add3A_64 = vector.broadcast %sub3A_35 : vector<1000x1xf32> to vector<1000x128xf32>
    %add3A_65 = arith.addf %slice3A_63, %add3A_64 : vector<1000x128xf32>
    %swap3A_66 = arith.constant 0 : index
    %swap3A_67 = arith.constant 3 : index
    %swap3A_68 = arith.constant 0 : index
    %swap3A_69 = vector.load %arg3[%swap3A_66, %swap3A_67, %swap3A_68] : memref<1000x8x128xf32, #tpu.memory_space<vmem>>, vector<1000x1x128xf32>
    %swap3A_70 = vector.shape_cast %swap3A_69 : vector<1000x1x128xf32> to vector<1000x128xf32>
    %swap3A_71 = vector.shape_cast %add3A_65 : vector<1000x128xf32> to vector<1000x1x128xf32>
    tpu.vector_store %arg3[%swap3A_66, %swap3A_67, %swap3A_68], %swap3A_71 {strides = array<i32>} : memref<1000x8x128xf32, #tpu.memory_space<vmem>>, vector<1000x1x128xf32>,
    %slice3A_72 = vector.extract_strided_slice %get3A_21 {offsets = [0, 512], sizes = [1000, 128], strides = [1, 1]} : vector<1000x1000xf32> to vector<1000x128xf32>
    %add3A_73 = vector.broadcast %sub3A_35 : vector<1000x1xf32> to vector<1000x128xf32>
    %add3A_74 = arith.addf %slice3A_72, %add3A_73 : vector<1000x128xf32>
    %swap3A_75 = arith.constant 0 : index
    %swap3A_76 = arith.constant 4 : index
    %swap3A_77 = arith.constant 0 : index
    %swap3A_78 = vector.load %arg3[%swap3A_75, %swap3A_76, %swap3A_77] : memref<1000x8x128xf32, #tpu.memory_space<vmem>>, vector<1000x1x128xf32>
    %swap3A_79 = vector.shape_cast %swap3A_78 : vector<1000x1x128xf32> to vector<1000x128xf32>
    %swap3A_80 = vector.shape_cast %add3A_74 : vector<1000x128xf32> to vector<1000x1x128xf32>
    tpu.vector_store %arg3[%swap3A_75, %swap3A_76, %swap3A_77], %swap3A_80 {strides = array<i32>} : memref<1000x8x128xf32, #tpu.memory_space<vmem>>, vector<1000x1x128xf32>,
    %slice3A_81 = vector.extract_strided_slice %get3A_21 {offsets = [0, 640], sizes = [1000, 128], strides = [1, 1]} : vector<1000x1000xf32> to vector<1000x128xf32>
    %add3A_82 = vector.broadcast %sub3A_35 : vector<1000x1xf32> to vector<1000x128xf32>
    %add3A_83 = arith.addf %slice3A_81, %add3A_82 : vector<1000x128xf32>
    %swap3A_84 = arith.constant 0 : index
    %swap3A_85 = arith.constant 5 : index
    %swap3A_86 = arith.constant 0 : index
    %swap3A_87 = vector.load %arg3[%swap3A_84, %swap3A_85, %swap3A_86] : memref<1000x8x128xf32, #tpu.memory_space<vmem>>, vector<1000x1x128xf32>
    %swap3A_88 = vector.shape_cast %swap3A_87 : vector<1000x1x128xf32> to vector<1000x128xf32>
    %swap3A_89 = vector.shape_cast %add3A_83 : vector<1000x128xf32> to vector<1000x1x128xf32>
    tpu.vector_store %arg3[%swap3A_84, %swap3A_85, %swap3A_86], %swap3A_89 {strides = array<i32>} : memref<1000x8x128xf32, #tpu.memory_space<vmem>>, vector<1000x1x128xf32>,
    %slice3A_90 = vector.extract_strided_slice %get3A_21 {offsets = [0, 768], sizes = [1000, 128], strides = [1, 1]} : vector<1000x1000xf32> to vector<1000x128xf32>
    %add3A_91 = vector.broadcast %sub3A_35 : vector<1000x1xf32> to vector<1000x128xf32>
    %add3A_92 = arith.addf %slice3A_90, %add3A_91 : vector<1000x128xf32>
    %swap3A_93 = arith.constant 0 : index
    %swap3A_94 = arith.constant 6 : index
    %swap3A_95 = arith.constant 0 : index
    %swap3A_96 = vector.load %arg3[%swap3A_93, %swap3A_94, %swap3A_95] : memref<1000x8x128xf32, #tpu.memory_space<vmem>>, vector<1000x1x128xf32>
    %swap3A_97 = vector.shape_cast %swap3A_96 : vector<1000x1x128xf32> to vector<1000x128xf32>
    %swap3A_98 = vector.shape_cast %add3A_92 : vector<1000x128xf32> to vector<1000x1x128xf32>
    tpu.vector_store %arg3[%swap3A_93, %swap3A_94, %swap3A_95], %swap3A_98 {strides = array<i32>} : memref<1000x8x128xf32, #tpu.memory_space<vmem>>, vector<1000x1x128xf32>,
    %slice3A_99 = vector.extract_strided_slice %get3A_21 {offsets = [0, 896], sizes = [1000, 104], strides = [1, 1]} : vector<1000x1000xf32> to vector<1000x104xf32>
    %add3A_100 = vector.broadcast %sub3A_35 : vector<1000x1xf32> to vector<1000x104xf32>
    %add3A_101 = arith.addf %slice3A_99, %add3A_100 : vector<1000x104xf32>
    %swap3A_102 = arith.constant 0 : index
    %swap3A_103 = arith.constant 7 : index
    %swap3A_104 = arith.constant 0 : index
    %swap3A_105 = vector.load %arg3[%swap3A_102, %swap3A_103, %swap3A_104] : memref<1000x8x128xf32, #tpu.memory_space<vmem>>, vector<1000x1x104xf32>
    %swap3A_106 = vector.shape_cast %swap3A_105 : vector<1000x1x104xf32> to vector<1000x104xf32>
    %swap3A_107 = vector.shape_cast %add3A_101 : vector<1000x104xf32> to vector<1000x1x104xf32>
    tpu.vector_store %arg3[%swap3A_102, %swap3A_103, %swap3A_104], %swap3A_107 {strides = array<i32>} : memref<1000x8x128xf32, #tpu.memory_space<vmem>>, vector<1000x1x104xf32>,
    return
  }
}

</mosaic_0001>

<sc_bundles>
// kernel: kernel.4.cloned.1.call-start
scs
__scs_entry_jumppad:
0x0: {  	(pc) =	sbr.rel $0x88, $3  }
0x1: {  	(tag) =	ssettag $0x0;
	lr =	simm.s32 $0x1  }
0x2: {  	[smem:$0x3F9E] =	sst lr;
	_ =	strace $0xD0000000  }
0x3: {  	_ = 	snop  }
0x4: {  	_ = 	snop  }
0x5: {  	_ = 	snop  }
0x6: {  	_ = 	snop  }
0x7: {  	_ = 	snop  }
__scs_overlays_trampoline_lowered:
0x8: {  	[smem:$0x3FAD] =	sst s0  }
0x9: {  	[smem:$0x3FAE] =	sst s1  }
0xa: {  	[smem:$0x3FAF] =	sst s2  }
0xb: {  	[smem:$0x3FB0] =	sst s3  }
0xc: {  	[smem:$0x3FB1] =	sst s4  }
0xd: {  	[smem:$0x3FB2] =	sst s5  }
0xe: {  	[smem:$0x3FB3] =	sst s6  }
0xf: {  	[smem:$0x3FB4] =	sst s7  }
0x10: {  	[smem:$0x3FB5] =	sst s8  }
0x11: {  	[smem:$0x3FB6] =	sst s9;
	s0 =	simm.s32 @!p0 $0x0  }
0x12: {  	s1 =	sld [smem:$0x3F9C];
	s0 =	simm.s32 @p0 $0x1  }
0x13: {  	[smem:$0x3FB7] =	sst s0;
	s0 =	simm.s32 @!p1 $0x0  }
0x14: {  	s2 =	sld [smem:$0x3F9B];
	s0 =	simm.s32 @p1 $0x1  }
0x15: {  	[smem:$0x3FB8] =	sst s0;
	s0 =	simm.s32 @!p2 $0x0  }
0x16: {  	s3 =	sld [smem:$0x3FDB];
	s0 =	simm.s32 @p2 $0x1  }
0x17: {  	s4 =	simm.s32 $0x1BF5;
	[smem:$0x3FBA] =	sst s0  }
0x18: {  	s0 =	sld [smem:$0x3F9D];
	_ =	swait.ge [sflag:s4], $0x0  }
0x19: {  	s7 =	sld [smem:$0x3F9E]  }
0x1a: {  	s8 =	sadd.s32 $0xFFFFE003, lr  }
0x1b: {  	s9 =	sadd.s32 $0xFFFFFEF7, lr;
	s5 =	simm.s32 $0xFFFFFFFF;
	p2 =	slt.u32 s8, $0xFFFFF086  }
0x1c: {  	p1 =	slt.u32 s9, $0xF7A;
	s5 =	simm.s32 @!p2 $0x0  }
0x1d: {  	s5 =	simm.s32 @p1 $0x1;
	p0 =	seq.s32 s7, s2  }
0x1e: {  	s7 =	smul.u32 @!p0 $0xF7A, s2;
	p2 =	seq.s32 @!p0 s5, $0x0  }
0x1f: {  	s9 =	smul.u32 $0xF7A, s1;
	s8 =	simm.s32 @!p0 $0x1BF5;
	p2 =	por !p2, p0  }
0x20: {  	[sflag:s8] =	ssyncset.s32 @!p0 $0xFFFFF086;
	s6 =	sadd.s32 @!p0 s3, s7;
	s7 =	simm.s32 @!p0 $0x108  }
0x21: {  	s3 =	sadd.s32 s3, s9;
	s6 =	sadd.s32 @!p0 $0x88, s6;
	s7 =	simm.s32 @p2 $0x1082  }
0x22: {  	[simem:s7], [sflag:s8] =	dma.local @!p0 [hbm:s6], $0xF7A  }
0x23: {  	s9 =	sor.u32 $0xD0000000, s2;
	s6 =	simm.s32 $0x108;
	_ =	swait.ge @!p0 [sflag:s8], $0x0  }
0x24: {  	s3 =	sadd.s32 $0x88, s3;
	s6 =	simm.s32 @!p1 $0x1082;
	[sflag:s4] =	ssyncset.s32 $0xFFFFF086  }
0x25: {  	[simem:s6], [sflag:s4] =	dma.local [hbm:s3], $0xF7A  }
0x26: {  	[smem:$0x3F9E] =	sst s1;
	(tag) =	ssettag s2;
	_ =	strace s9  }
0x27: {  	s1 =	sld [smem:$0x3FAE]  }
0x28: {  	s2 =	sld [smem:$0x3FAF]  }
0x29: {  	s4 =	sld [smem:$0x3FB1]  }
0x2a: {  	p0 =	seq.s32 s5, $0x0;
	s5 =	sld [smem:$0x3FB2]  }
0x2b: {  	s6 =	sld [smem:$0x3FB3]  }
0x2c: {  	s7 =	sld [smem:$0x3FB4]  }
0x2d: {  	s3 =	simm.s32 $0x108;
	s8 =	sld [smem:$0x3FB5]  }
0x2e: {  	s3 =	simm.s32 @!p0 $0x1082;
	s9 =	sld [smem:$0x3FB6]  }
0x2f: {  	lr =	sadd.s32 s0, s3;
	s0 =	sld [smem:$0x3FAD]  }
0x30: {  	s3 =	sld [smem:$0x3FB0]  }
0x31: {  	[smem:$0x3FB9] =	sst s10  }
0x32: {  	s10 =	sld [smem:$0x3FB7];
	_ =	sdelay $0x3  }
0x33: {  	p0 =	seq.s32 s10, $0x1;
	s10 =	sld [smem:$0x3FB9];
	_ =	sdelay $0x3  }
0x34: {  	[smem:$0x3FB9] =	sst s10  }
0x35: {  	s10 =	sld [smem:$0x3FB8];
	_ =	sdelay $0x3  }
0x36: {  	p1 =	seq.s32 s10, $0x1;
	s10 =	sld [smem:$0x3FB9];
	_ =	sdelay $0x3  }
0x37: {  	[smem:$0x3FB9] =	sst s10  }
0x38: {  	s10 =	sld [smem:$0x3FBA]  }
0x39: {  	_ = 	snop;
	(pc) =	sbr.ind lr, $3  }
0x3a: {  	_ = 	snop  }
0x3b: {  	_ = 	snop  }
0x3c: {  	p2 =	seq.s32 s10, $0x1;
	s10 =	sld [smem:$0x3FB9]  }
0x3d: {  	_ =	shalt  }
0x3e: {  	_ =	shalt  }
0x3f: {  	_ =	shalt  }
0x40: {  	_ =	shalt  }
0x41: {  	_ =	shalt  }
0x42: {  	_ =	shalt  }
0x43: {  	_ =	shalt  }
0x44: {  	_ =	shalt  }
0x45: {  	_ =	shalt  }
0x46: {  	_ =	shalt  }
0x47: {  	_ =	shalt  }
0x48: {  	_ =	shalt  }
0x49: {  	_ =	shalt  }
0x4a: {  	_ =	shalt  }
0x4b: {  	_ =	shalt  }
0x4c: {  	_ =	shalt  }
0x4d: {  	_ =	shalt  }
0x4e: {  	_ =	shalt  }
0x4f: {  	_ =	shalt  }
0x50: {  	_ =	shalt  }
0x51: {  	_ =	shalt  }
0x52: {  	_ =	shalt  }
0x53: {  	_ =	shalt  }
0x54: {  	_ =	shalt  }
0x55: {  	_ =	shalt  }
0x56: {  	_ =	shalt  }
0x57: {  	_ =	shalt  }
0x58: {  	_ =	shalt  }
0x59: {  	_ =	shalt  }
0x5a: {  	_ =	shalt  }
0x5b: {  	_ =	shalt  }
0x5c: {  	_ =	shalt  }
0x5d: {  	_ =	shalt  }
0x5e: {  	_ =	shalt  }
0x5f: {  	_ =	shalt  }
0x60: {  	_ =	shalt  }
0x61: {  	_ =	shalt  }
0x62: {  	_ =	shalt  }
0x63: {  	_ =	shalt  }
0x64: {  	_ =	shalt  }
0x65: {  	_ =	shalt  }
0x66: {  	_ =	shalt  }
0x67: {  	_ =	shalt  }
0x68: {  	_ =	shalt  }
0x69: {  	_ =	shalt  }
0x6a: {  	_ =	shalt  }
0x6b: {  	_ =	shalt  }
0x6c: {  	_ =	shalt  }
0x6d: {  	_ =	shalt  }
0x6e: {  	_ =	shalt  }
0x6f: {  	_ =	shalt  }
0x70: {  	_ =	shalt  }
0x71: {  	_ =	shalt  }
0x72: {  	_ =	shalt  }
0x73: {  	_ =	shalt  }
0x74: {  	_ =	shalt  }
0x75: {  	_ =	shalt  }
0x76: {  	_ =	shalt  }
0x77: {  	_ =	shalt  }
0x78: {  	_ =	shalt  }
0x79: {  	_ =	shalt  }
0x7a: {  	_ =	shalt  }
0x7b: {  	_ =	shalt  }
0x7c: {  	_ =	shalt  }
0x7d: {  	_ =	shalt  }
0x7e: {  	_ =	shalt  }
0x7f: {  	_ =	shalt  }
0x80: {  	_ =	shalt  }
0x81: {  	_ =	shalt  }
0x82: {  	_ =	shalt  }
0x83: {  	_ =	shalt  }
0x84: {  	_ =	shalt  }
0x85: {  	_ =	shalt  }
0x86: {  	_ =	shalt  }
0x87: {  	_ =	shalt  }
.Lfunc_end0:
.L_simem_size_0:
called_computation_lowered:
.L_overlay_start_0:
0x88: {  	s2 =	sld [smem:$0x3FD9]  }
0x89: {  	s3 =	sld [smem:$0x3FFE];
	_ =	sdelay $0x1  }
0x8a: {  	s1 =	srdreg.scid  }
0x8b: {  	s0 =	sand.u32 $0x1, s1  }
0x8c: {  	s17 =	sshll.u32 s0, $0xA;
	s2 =	sadd.s32 s3, s2  }
0x8d: {  	s2 =	sadd.s32 s2, s17  }
0x8e: {  	[smem:$0x3FC5] =	sst s2  }
0x8f: {  	_ = 	snop  }
0x90: {  	s2 =	sld [smem:$0x3FD0];
	(tm) =	ssettm $0x1  }
0x91: {  	s18 =	sld [smem:$0x3FFB];
	_ =	sdelay $0x3  }
0x92: {  	_ =	strace s18  }
0x93: {  	s3 =	sld [smem:$0x3FFC];
	_ =	sdelay $0x3  }
0x94: {  	_ =	strace s3  }
0x95: {  	s3 =	sld [smem:$0x3FFD];
	_ =	sdelay $0x3  }
0x96: {  	_ =	strace s3  }
0x97: {  	_ =	strace $0x8FFFFFFF  }
0x98: {  	s19 =	sld [smem:$0x3FDB];
	_ =	sdelay $0x1  }
0x99: {  	s4 =	simm.s32 $_scs_section_size  }
0x9a: {  	s5 =	simm.s32 $_size__tile_overlayer_lowered;
	s6 =	simm.s32 $_tile_overlayer_lowered  }
0x9b: {  	s22 =	simm.s32 $0x1BFF;
	s21 =	sshll.u32 s6, $0x1;
	s3 =	sadd.s32 s4, s19  }
0x9c: {  	s7 =	simm.s32 $0x0;
	s20 =	sshll.u32 s5, $0x1;
	s5 =	sadd.s32 s21, s3  }
0x9d: {  	[timem:s7], [sflag:s22] =	dma.local [hbm:s5], s20  }
0x9e: {  	_ =	swait.ge [sflag:s22], s20  }
0x9f: {  	s4 =	ssub.s32 $0x0, s20;
	[sflag:s22] =	ssyncset.done $0x0  }
0xa0: {  	[sflag:s22] =	ssyncadd.s32 s4;
	_ =	sdelay $0x1  }
0xa1: {  	s23 =	simm.s32 $0x1B8B  }
0xa2: {  	_ =	swait.ge [sflag:s23], $0x1  }
0xa3: {  	[sflag:s23] =	ssyncset.done $0x0  }
0xa4: {  	s25 =	simm.s32 $0x1B8E;
	s24 =	sld [smem:$0x3FFE];
	[sflag:s23] =	ssyncadd.s32 $0xFFFFFFFF  }
0xa5: {  	s26 =	simm.s32 $execute0_lowered;
	[smem:$0x3FD2] =	sst s25  }
0xa6: {  	s5 =	sshll.u32 s26, $0x1;
	_ =	strace $0x80000046;
	[dreg:$0x1] =	wrdreg $0xFFFFFFFF  }
0xa7: {  	s28 =	simm.s32 $_size_execute0_lowered;
	s3 =	sadd.s32 s3, s5;
	[dreg:$0x0] =	wrdreg $0x0  }
0xa8: {  	s5 =	sshll.u32 s28, $0x1;
	[dreg:$0x2] =	wrdreg s3  }
0xa9: {  	[dreg:$0x3] =	wrdreg s5  }
0xaa: {  	[dreg:$0x4] =	wrdreg $0xC0  }
0xab: {  	_ =	task [dreg:s7], $0x5FFFF  }
0xac: {  	[dreg:$0x1] =	wrdreg $0xFFFFFFFF  }
0xad: {  	[dreg:$0x0] =	wrdreg $0x60  }
0xae: {  	[dreg:$0x2] =	wrdreg s24  }
0xaf: {  	[dreg:$0x3] =	wrdreg s2  }
0xb0: {  	[dreg:$0x4] =	wrdreg $0x9  }
0xb1: {  	_ =	task.clear_ibuf [dreg:s7], $0x5FFFF;
	_ =	strace $0x90000046  }
0xb2: {  	s29 =	simm.s32 $0x9;
	_ =	strace $0x80000048  }
0xb3: {  	_ =	swait.ge [sflag:s29], $0x1  }
0xb4: {  	[sflag:s29] =	ssyncadd.s32 $0xFFFFFFFF  }
0xb5: {  	_ =	strace $0x90000048  }
0xb6: {  	_ =	sfence  }
0xb7: {  	s30 =	sld [smem:$0x0];
	_ =	sdelay $0x2  }
0xb8: {  	s31 =	sshll.u32 s1, $0xD;
	s1 =	sshrl.u32 s1, $0x2  }
0xb9: {  	s3 =	sand.u32 $0x4000, s31;
	s1 =	sadd.s32 s1, s30  }
0xba: {  	s0 =	sor.u32 s3, s0;
	s1 =	sshll.u32 s1, $0x11  }
0xbb: {  	s0 =	sor.u32 s1, s0  }
0xbc: {  	s0 =	sadd.s32 $0x8F2B, s0  }
0xbd: {  	[sflag:s0] =	ssyncadd.remote.s32 $0x1  }
0xbe: {  	_ =	sfence.sel $0xFFFF  }
0xbf: {  	[dreg:$0x0] =	wrdreg $0xFFFFFFFF;
	(pc) =	sbr.abs _section_cstart, $3  }
0xc0: {  	[dreg:$0x1] =	wrdreg $0xFFFFFFFF  }
0xc1: {  	_ =	task.clear_ibuf [dreg:s7], $0x2FFFF;
	_ =	strace $0x9FFFFFFF  }
0xc2: {  	(tm) =	ssettm $0x7FFFFFFF  }
0xc3: {  	_ =	shalt  }
tec
execute0_lowered:
.L_overlay_start_1:
0x0: {  	(tag) =	ssettag $0x1  }
0x1: {  	s1 =	srdreg.scid  }
0x2: {  	s5 =	rddreg [dreg:$0x0];
	s0 =	stileid.u32;
	s14 =	sand.u32 $0x1, s1  }
0x3: {  	s15 =	rddreg [dreg:$0x1];
	s3 =	sshll.u32 s0, $0x7;
	s4 =	sshll.u32 s14, $0x6  }
0x4: {  	s2 =	simm.s32 $0x0;
	s1 =	rddreg [dreg:$0x2];
	s16 =	sor.u32 s4, s3  }
0x5: {  	[smem:$0x7FF] =	sst s2;
	s3 =	sadd.s32 s16, s5  }
0x6: {  	_ =	strace $0x80000047;
	s4 =	sadd.s32 $0x20200, s3;
	s3 =	simm.s32 $0x2  }
0x7: {  	[tilespmem:s2], [sflag:$0x2] =	stream.linear.gather [hbm4b:s4+s2], $0x200, $0x38;
	[tilespmem:$0x400] =	vst v63  }
0x8: {  	_ =	swait.ge [sflag:s3], $0x200  }
0x9: {  	s6 =	simm.s32 $0x80;
	[sflag:s3] =	ssyncset.done $0x0  }
0xa: {  	s7 =	simm.s32 $0x200;
	s5 =	sadd.s32 $0xE00, s5;
	[sflag:s3] =	ssyncadd.s32 $0xFFFFFE00  }
0xb: {  	[tilespmem:s7], [sflag:$0x1] =	stream.indirect.gather [hbm4b:s5+s6], $0x1, s2, s6, $0xb8;
	[tilespmem:$0x400] =	vst v63  }
0xc: {  	s8 =	simm.s32 $0x280  }
0xd: {  	[tilespmem:s8], [sflag:$0x1] =	stream.indirect.gather [hbm4b:s5+s6], $0x1, s6, s6, $0xb8;
	[tilespmem:$0x400] =	vst v63  }
0xe: {  	s9 =	simm.s32 $0x100;
	s10 =	simm.s32 $0x300  }
0xf: {  	[tilespmem:s10], [sflag:$0x1] =	stream.indirect.gather [hbm4b:s5+s6], $0x1, s9, s6, $0xb8;
	[tilespmem:$0x400] =	vst v63  }
0x10: {  	s11 =	simm.s32 $0x180;
	s12 =	simm.s32 $0x380;
	s13 =	simm.s32 $0x1  }
0x11: {  	[tilespmem:s12], [sflag:$0x1] =	stream.indirect.gather [hbm4b:s5+s6], $0x1, s11, s6, $0xb8;
	[tilespmem:$0x400] =	vst v63  }
0x12: {  	_ =	swait.ge [sflag:s13], $0x80  }
0x13: {  	[sflag:s13] =	ssyncset.done $0x0  }
0x14: {  	[sflag:s13] =	ssyncadd.s32 $0xFFFFFF80  }
0x15: {  	_ =	swait.ge [sflag:s13], $0x80  }
0x16: {  	[sflag:s13] =	ssyncset.done $0x0  }
0x17: {  	s14 =	ssub.s32 $0x2, s14;
	[sflag:s13] =	ssyncadd.s32 $0xFFFFFF80  }
0x18: {  	s17 =	sshrl.u32 s14, $0x1;
	_ =	swait.ge [sflag:s13], $0x80  }
0x19: {  	s17 =	ssub.s32 s14, s17;
	[sflag:s13] =	ssyncset.done $0x0  }
0x1a: {  	s31 =	smax.u32 s17, $0x1;
	[sflag:s13] =	ssyncadd.s32 $0xFFFFFF80  }
0x1b: {  	p0 =	sne.s32 s31, $0x1;
	_ =	swait.ge [sflag:s13], $0x80  }
.Ltmp0:
0x1c: {  	[sflag:s13] =	ssyncset.done $0x0;
	(pc) =	sbr.rel @!p0 .LBB2_2-.Ltmp0, $4  }
0x1d: {  	s14 =	sadd.s32 s15, s16;
	[sflag:s13] =	ssyncadd.s32 $0xFFFFFF80  }
0x1e: {  	[hbm4b:s14+s2] =	stream.linear.scatter [tilespmem:s7], [sflag:$0x2], $0x200, $0x38;
	[tilespmem:$0x400] =	vst v63  }
0x1f: {  	_ =	swait.ge [sflag:s3], $0x200  }
0x20: {  	s15 =	sadd.s32 $0xFFFFFFFF, s31;
	[sflag:s3] =	ssyncset.done $0x0  }
.LBB2_1:
0x21: {  	p0 =	sne.s32 s15, $0x1;
	s15 =	sadd.s32 $0xFFFFFFFF, s15;
	[sflag:s3] =	ssyncadd.s32 $0xFFFFFE00  }
0x22: {  	[tilespmem:s2], [sflag:$0x2] =	stream.linear.gather [hbm4b:s4+s2], $0x200, $0x38;
	[tilespmem:$0x400] =	vst v63  }
0x23: {  	_ =	swait.ge [sflag:s3], $0x200  }
0x24: {  	[sflag:s3] =	ssyncset.done $0x0  }
0x25: {  	[sflag:s3] =	ssyncadd.s32 $0xFFFFFE00  }
0x26: {  	[tilespmem:s7], [sflag:$0x1] =	stream.indirect.gather [hbm4b:s5+s6], $0x1, s2, s6, $0xb8;
	[tilespmem:$0x400] =	vst v63  }
0x27: {  	_ = 	snop  }
0x28: {  	[tilespmem:s8], [sflag:$0x1] =	stream.indirect.gather [hbm4b:s5+s6], $0x1, s6, s6, $0xb8;
	[tilespmem:$0x400] =	vst v63  }
0x29: {  	_ = 	snop  }
0x2a: {  	[tilespmem:s10], [sflag:$0x1] =	stream.indirect.gather [hbm4b:s5+s6], $0x1, s9, s6, $0xb8;
	[tilespmem:$0x400] =	vst v63  }
0x2b: {  	_ = 	snop  }
0x2c: {  	[tilespmem:s12], [sflag:$0x1] =	stream.indirect.gather [hbm4b:s5+s6], $0x1, s11, s6, $0xb8;
	[tilespmem:$0x400] =	vst v63  }
0x2d: {  	_ =	swait.ge [sflag:s13], $0x80  }
0x2e: {  	[sflag:s13] =	ssyncset.done $0x0  }
0x2f: {  	[sflag:s13] =	ssyncadd.s32 $0xFFFFFF80  }
0x30: {  	_ =	swait.ge [sflag:s13], $0x80  }
0x31: {  	[sflag:s13] =	ssyncset.done $0x0  }
0x32: {  	[sflag:s13] =	ssyncadd.s32 $0xFFFFFF80  }
0x33: {  	_ =	swait.ge [sflag:s13], $0x80  }
0x34: {  	[sflag:s13] =	ssyncset.done $0x0  }
0x35: {  	[sflag:s13] =	ssyncadd.s32 $0xFFFFFF80  }
0x36: {  	_ =	swait.ge [sflag:s13], $0x80  }
.Ltmp1:
0x37: {  	[sflag:s13] =	ssyncset.done $0x0;
	(pc) =	sbr.rel @p0 .LBB2_1-.Ltmp1, $4  }
0x38: {  	[sflag:s13] =	ssyncadd.s32 $0xFFFFFF80  }
0x39: {  	[hbm4b:s14+s2] =	stream.linear.scatter [tilespmem:s7], [sflag:$0x2], $0x200, $0x38;
	[tilespmem:$0x400] =	vst v63  }
0x3a: {  	_ =	swait.ge [sflag:s3], $0x200  }
0x3b: {  	[sflag:s3] =	ssyncset.done $0x0  }
.LBB2_2:
0x3c: {  	[sflag:s3] =	ssyncadd.s32 $0xFFFFFE00  }
0x3d: {  	_ =	sfence.sel $0x180000  }
0x3e: {  	[bflag:$0x0] =	sbarrier.arrive $0xFFFF  }
0x3f: {  	p0 =	sne.s32 s0, $0x0;
	_ =	strace $0x90000047  }
0x40: {  	s0 =	sadd.s32 @!p0 $0x100000, s1;
	[bflag:$0x2] =	sbarrier.arrive $0xFFFF  }
0x41: {  	[sflag:s0] =	ssyncadd.tile.s32 @!p0 $0x1;
	_ =	shalt  }
.Lfunc_end2:
_tile_overlayer_lowered:
.L_overlay_start_2:
0x42: {  	(tag) =	ssettag $0x2  }
0x43: {  	s0 =	rddreg [dreg:$0x0];
	s2 =	stileid.u32  }
0x44: {  	s1 =	rddreg [dreg:$0x1];
	p0 =	sne.s32 s2, $0x0  }
0x45: {  	s3 =	rddreg [dreg:$0x2];
	[bflag:$0x3] =	sbarrier.arrive $0xFFFF;
	s2 =	simm.s32 @!p0 $0x1C02  }
0x46: {  	[timem:s3], [sflag:s2] =	dma.local @!p0 [hbm:s0], s1  }
0x47: {  	s0 =	simm.s32 @!p0 $0x2  }
0x48: {  	_ =	swait.ge @!p0 [sflag:s0], s1  }
0x49: {  	s1 =	ssub.s32 @!p0 $0x0, s1;
	[sflag:s0] =	ssyncset.done @!p0 $0x0  }
0x4a: {  	[sflag:s0] =	ssyncadd.s32 @!p0 s1  }
0x4b: {  	[bflag:$0x3] =	sbarrier.arrive $0xFFFF  }
0x4c: {  	_ =	shalt  }

</sc_bundles>
